<compile_context>
chip_gen: v7x
topology: tpu7x:2x2x1
jax: 0.10.2.dev20260603
libtpu: 0.0.44.dev20260713+nightly
codegen_flags: <defaults>
</compile_context>

<pallas_src>
import jax
import jax.numpy as jnp
from jax import lax
from jax.experimental import pallas as pl
from jax.experimental.pallas import tpu as pltpu
from jax.experimental.pallas import tpu_sc as plsc

N = 100000
E = 1600000
BUDGET = 500
ALPHA = 0.85
ITERS = 50

_NC = 2
_NS = 16
_NW = _NC * _NS
_PER_W = E // _NW
_CHUNK = 10000
_NCHUNK = _PER_W // _CHUNK


def _gather_kernel(q_hbm, src_hbm, out_hbm, idx0, idx1, val0, val1, sem0, sem1):
    c = lax.axis_index("c")
    s = lax.axis_index("s")
    wid = s * _NC + c
    base = wid * _PER_W
    bufs = [(idx0, val0, sem0), (idx1, val1, sem1)]

    idx_v, val_v, sem = bufs[0]
    pltpu.sync_copy(src_hbm.at[pl.ds(base, _CHUNK)], idx_v)
    prev = pltpu.async_copy(q_hbm.at[idx_v], val_v, sem)
    prev_val = val_v
    for j in range(1, _NCHUNK):
        idx_v, val_v, sem = bufs[j % 2]
        off = base + j * _CHUNK
        pltpu.sync_copy(src_hbm.at[pl.ds(off, _CHUNK)], idx_v)
        cur = pltpu.async_copy(q_hbm.at[idx_v], val_v, sem)
        prev.wait()
        pltpu.sync_copy(prev_val, out_hbm.at[pl.ds(off - _CHUNK, _CHUNK)])
        prev, prev_val = cur, val_v
    prev.wait()
    pltpu.sync_copy(prev_val, out_hbm.at[pl.ds(base + (_NCHUNK - 1) * _CHUNK, _CHUNK)])


@jax.jit
def _sc_gather(q, src):
    mesh = plsc.VectorSubcoreMesh(core_axis_name="c", subcore_axis_name="s")
    kfn = pl.kernel(
        _gather_kernel,
        out_type=jax.ShapeDtypeStruct((E,), jnp.float32),
        mesh=mesh,
        scratch_types=[
            pltpu.VMEM((_CHUNK,), jnp.int32),
            pltpu.VMEM((_CHUNK,), jnp.int32),
            pltpu.VMEM((_CHUNK,), jnp.float32),
            pltpu.VMEM((_CHUNK,), jnp.float32),
            pltpu.SemaphoreType.DMA,
            pltpu.SemaphoreType.DMA,
        ],
    )
    return kfn(q, src)


def kernel(p0, edge_index, train_mask, budget):
    src = edge_index[0]
    dst = edge_index[1]
    out_deg = jnp.zeros((N,), jnp.float32).at[src].add(1.0)
    dangling = out_deg == 0.0
    safe_deg = jnp.where(dangling, 1.0, out_deg)
    pr = p0 / jnp.sum(p0)
    teleport = (1.0 - ALPHA) / N
    for _ in range(ITERS):
        q = pr / safe_deg
        contrib = _sc_gather(q, src)
        agg = jnp.zeros((N,), jnp.float32).at[dst].add(contrib)
        dm = jnp.sum(jnp.where(dangling, pr, 0.0))
        pr = ALPHA * (agg + dm / N) + teleport
    scores = jnp.where(train_mask, pr, -jnp.inf)
    scores = scores + jnp.float32(0) * jnp.asarray(budget, jnp.float32)
    vals, ids = jax.lax.top_k(scores, BUDGET)
    return ids, vals

# --- scband reference (transcript-rebuilt; emitter-appended) ---
"""Pipeline reference for scband-ppr-sampler-22789096472870 (READ-ONLY COPY).

The authoritative reference and input builder live on the scoring server;
editing this copy changes nothing except your own understanding.
"""

import jax, jax.numpy as jnp
import numpy as np

N = 100000
E = 1600000
BUDGET = 500
ALPHA = 0.85
ITERS = 50

def setup_inputs(seed: int = 0):
    key = jax.random.key(seed)
    k1, k2, k3 = jax.random.split(key, 3)
    edge_index = jax.random.randint(k1, (2, E), 0, N, dtype=jnp.int32)
    p0 = jax.random.uniform(k2, (N,), dtype=jnp.float32)
    train_mask = jax.random.randint(k3, (N,), 0, 2, dtype=jnp.int32).astype(jnp.bool_)
    return {"p0": p0, "edge_index": edge_index, "train_mask": train_mask, "budget": BUDGET}

def _pagerank(p0, edge_index):
    # Directed pagerank via power iteration (faithful to nx.pagerank defaults:
    # alpha=0.85, uniform teleport, dangling mass redistributed uniformly;
    # p0 plays the role of the nstart vector).
    src = edge_index[0]
    dst = edge_index[1]
    out_deg = jnp.zeros((N,), jnp.float32).at[src].add(1.0)
    dangling = out_deg == 0.0
    safe_deg = jnp.where(dangling, 1.0, out_deg)
    pr = p0 / jnp.sum(p0)
    teleport = (1.0 - ALPHA) / N
    for _ in range(ITERS):
        contrib = pr[src] / safe_deg[src]
        agg = jnp.zeros((N,), jnp.float32).at[dst].add(contrib)
        dm = jnp.sum(jnp.where(dangling, pr, 0.0))
        pr = ALPHA * (agg + dm / N) + teleport
    return pr

def reference(p0, edge_index, train_mask, budget):
    pr = _pagerank(p0, edge_index)
    # Sort all nodes by pagerank descending, keep only train ids, take first
    # min(budget, n_train) -> equivalent to top-k over train-masked scores.
    scores = jnp.where(train_mask, pr, -jnp.inf)
    scores = scores + jnp.float32(0) * jnp.asarray(budget, jnp.float32)
    vals, ids = jax.lax.top_k(scores, BUDGET)
    return ids, vals

if __name__ == "__main__":
    import jax
    _d = setup_inputs()
    print(jax.jit(kernel)(*tuple(_d.values())))

</pallas_src>

<mosaic_0001>
#map = affine_map<(d0, d1) -> (0)>
module attributes {stable_mosaic.version = 14 : i64} {
  func.func @_gather_kernel(%arg0: i32, %arg1: i32, %arg2: memref<100000xf32, #tpu.memory_space<hbm>>, %arg3: memref<1600000xi32, #tpu.memory_space<hbm>>, %arg4: memref<1600000xf32, #tpu.memory_space<hbm>>, %arg5: memref<10000xi32, #tpu.memory_space<vmem>>, %arg6: memref<10000xi32, #tpu.memory_space<vmem>>, %arg7: memref<10000xf32, #tpu.memory_space<vmem>>, %arg8: memref<10000xf32, #tpu.memory_space<vmem>>, %arg9: memref<!tpu.dma_semaphore, #tpu.memory_space<semaphore_mem>>, %arg10: memref<!tpu.dma_semaphore, #tpu.memory_space<semaphore_mem>>) attributes {dimension_semantics = [#tpu.dimension_semantics<core_parallel>, #tpu.dimension_semantics<subcore_parallel>], iteration_bounds = array<i64: 2, 16>, scalar_prefetch = 0 : i64, scratch_operands = 6 : i64, tpu.core_type = #tpu.core_type<sc_vector_subcore>, window_params = [{transform_indices = #map}, {transform_indices = #map}, {transform_indices = #map}]} {
    %mul3A = arith.constant 2 : i32
    %mul3A_0 = arith.muli %arg1, %mul3A : i32
    %add3A = arith.addi %mul3A_0, %arg0 : i32
    %mul3A_1 = arith.constant 50000 : i32
    %mul3A_2 = arith.muli %add3A, %mul3A_1 : i32
    "tpu.region"() ({
      %run_scoped3A = tpu.sem_alloc : memref<!tpu.dma_semaphore, #tpu.memory_space<semaphore_mem>>
      %dma_start3A_38 = tpu.memref_slice %arg3[%mul3A_2] : memref<1600000xi32, #tpu.memory_space<hbm>> -> memref<10000xi32, #tpu.memory_space<hbm>>
      %dma_start3A_39 = tpu.memref_slice %arg3[%mul3A_2] : memref<1600000xi32, #tpu.memory_space<hbm>> -> memref<10000xi32, #tpu.memory_space<hbm>>
      tpu.enqueue_dma source(%dma_start3A_39 : memref<10000xi32, #tpu.memory_space<hbm>>) target(%arg5 : memref<10000xi32, #tpu.memory_space<vmem>>) target_semaphore(%run_scoped3A : memref<!tpu.dma_semaphore, #tpu.memory_space<semaphore_mem>>)
      %dma_wait3A_40 = tpu.memref_slice %arg3[%mul3A_2] : memref<1600000xi32, #tpu.memory_space<hbm>> -> memref<10000xi32, #tpu.memory_space<hbm>>
      %dma_wait3A_41 = tpu.memref_slice %arg3[%mul3A_2] : memref<1600000xi32, #tpu.memory_space<hbm>> -> memref<10000xi32, #tpu.memory_space<hbm>>
      tpu.wait_dma2 semaphore(%run_scoped3A : memref<!tpu.dma_semaphore, #tpu.memory_space<semaphore_mem>>) src(%dma_wait3A_41 : memref<10000xi32, #tpu.memory_space<hbm>>) dst(%arg5 : memref<10000xi32, #tpu.memory_space<vmem>>)
      tpu.yield
    }) : () -> ()
    %dma_start3A = arith.constant 0 : i32
    %dma_start3A_3 = tpu.memref_slice %arg2[%dma_start3A] : memref<100000xf32, #tpu.memory_space<hbm>> -> memref<100000xf32, #tpu.memory_space<hbm>>
    tpu.enqueue_indirect_dma source(%dma_start3A_3 : memref<100000xf32, #tpu.memory_space<hbm>>) target(%arg7 : memref<10000xf32, #tpu.memory_space<vmem>>) offsets(%arg5 : memref<10000xi32, #tpu.memory_space<vmem>>) semaphore(%arg9 : memref<!tpu.dma_semaphore, #tpu.memory_space<semaphore_mem>>)
    %add3A_4 = arith.constant 10000 : i32
    %add3A_5 = arith.addi %mul3A_2, %add3A_4 : i32
    "tpu.region"() ({
      %run_scoped3A = tpu.sem_alloc : memref<!tpu.dma_semaphore, #tpu.memory_space<semaphore_mem>>
      %dma_start3A_38 = tpu.memref_slice %arg3[%add3A_5] : memref<1600000xi32, #tpu.memory_space<hbm>> -> memref<10000xi32, #tpu.memory_space<hbm>>
      %dma_start3A_39 = tpu.memref_slice %arg3[%add3A_5] : memref<1600000xi32, #tpu.memory_space<hbm>> -> memref<10000xi32, #tpu.memory_space<hbm>>
      tpu.enqueue_dma source(%dma_start3A_39 : memref<10000xi32, #tpu.memory_space<hbm>>) target(%arg6 : memref<10000xi32, #tpu.memory_space<vmem>>) target_semaphore(%run_scoped3A : memref<!tpu.dma_semaphore, #tpu.memory_space<semaphore_mem>>)
      %dma_wait3A_40 = tpu.memref_slice %arg3[%add3A_5] : memref<1600000xi32, #tpu.memory_space<hbm>> -> memref<10000xi32, #tpu.memory_space<hbm>>
      %dma_wait3A_41 = tpu.memref_slice %arg3[%add3A_5] : memref<1600000xi32, #tpu.memory_space<hbm>> -> memref<10000xi32, #tpu.memory_space<hbm>>
      tpu.wait_dma2 semaphore(%run_scoped3A : memref<!tpu.dma_semaphore, #tpu.memory_space<semaphore_mem>>) src(%dma_wait3A_41 : memref<10000xi32, #tpu.memory_space<hbm>>) dst(%arg6 : memref<10000xi32, #tpu.memory_space<vmem>>)
      tpu.yield
    }) : () -> ()
    %dma_start3A_6 = arith.constant 0 : i32
    %dma_start3A_7 = tpu.memref_slice %arg2[%dma_start3A_6] : memref<100000xf32, #tpu.memory_space<hbm>> -> memref<100000xf32, #tpu.memory_space<hbm>>
    tpu.enqueue_indirect_dma source(%dma_start3A_7 : memref<100000xf32, #tpu.memory_space<hbm>>) target(%arg8 : memref<10000xf32, #tpu.memory_space<vmem>>) offsets(%arg6 : memref<10000xi32, #tpu.memory_space<vmem>>) semaphore(%arg10 : memref<!tpu.dma_semaphore, #tpu.memory_space<semaphore_mem>>)
    %dma_wait3A = arith.constant 0 : i32
    %dma_wait3A_8 = tpu.memref_slice %arg2[%dma_wait3A] : memref<100000xf32, #tpu.memory_space<hbm>> -> memref<100000xf32, #tpu.memory_space<hbm>>
    tpu.wait_indirect_dma semaphore(%arg9 : memref<!tpu.dma_semaphore, #tpu.memory_space<semaphore_mem>>) src(%dma_wait3A_8 : memref<100000xf32, #tpu.memory_space<hbm>>) dst(%arg7 : memref<10000xf32, #tpu.memory_space<vmem>>)
    %sub3A = arith.constant 10000 : i32
    %sub3A_9 = arith.subi %add3A_5, %sub3A : i32
    "tpu.region"() ({
      %run_scoped3A = tpu.sem_alloc : memref<!tpu.dma_semaphore, #tpu.memory_space<semaphore_mem>>
      %dma_start3A_38 = tpu.memref_slice %arg4[%sub3A_9] : memref<1600000xf32, #tpu.memory_space<hbm>> -> memref<10000xf32, #tpu.memory_space<hbm>>
      %dma_start3A_39 = tpu.memref_slice %arg4[%sub3A_9] : memref<1600000xf32, #tpu.memory_space<hbm>> -> memref<10000xf32, #tpu.memory_space<hbm>>
      tpu.enqueue_dma source(%arg7 : memref<10000xf32, #tpu.memory_space<vmem>>) target(%dma_start3A_39 : memref<10000xf32, #tpu.memory_space<hbm>>) target_semaphore(%run_scoped3A : memref<!tpu.dma_semaphore, #tpu.memory_space<semaphore_mem>>)
      %dma_wait3A_40 = tpu.memref_slice %arg4[%sub3A_9] : memref<1600000xf32, #tpu.memory_space<hbm>> -> memref<10000xf32, #tpu.memory_space<hbm>>
      %dma_wait3A_41 = tpu.memref_slice %arg4[%sub3A_9] : memref<1600000xf32, #tpu.memory_space<hbm>> -> memref<10000xf32, #tpu.memory_space<hbm>>
      tpu.wait_dma2 semaphore(%run_scoped3A : memref<!tpu.dma_semaphore, #tpu.memory_space<semaphore_mem>>) src(%arg7 : memref<10000xf32, #tpu.memory_space<vmem>>) dst(%dma_wait3A_41 : memref<10000xf32, #tpu.memory_space<hbm>>)
      tpu.yield
    }) : () -> ()
    %add3A_10 = arith.constant 20000 : i32
    %add3A_11 = arith.addi %mul3A_2, %add3A_10 : i32
    "tpu.region"() ({
      %run_scoped3A = tpu.sem_alloc : memref<!tpu.dma_semaphore, #tpu.memory_space<semaphore_mem>>
      %dma_start3A_38 = tpu.memref_slice %arg3[%add3A_11] : memref<1600000xi32, #tpu.memory_space<hbm>> -> memref<10000xi32, #tpu.memory_space<hbm>>
      %dma_start3A_39 = tpu.memref_slice %arg3[%add3A_11] : memref<1600000xi32, #tpu.memory_space<hbm>> -> memref<10000xi32, #tpu.memory_space<hbm>>
      tpu.enqueue_dma source(%dma_start3A_39 : memref<10000xi32, #tpu.memory_space<hbm>>) target(%arg5 : memref<10000xi32, #tpu.memory_space<vmem>>) target_semaphore(%run_scoped3A : memref<!tpu.dma_semaphore, #tpu.memory_space<semaphore_mem>>)
      %dma_wait3A_40 = tpu.memref_slice %arg3[%add3A_11] : memref<1600000xi32, #tpu.memory_space<hbm>> -> memref<10000xi32, #tpu.memory_space<hbm>>
      %dma_wait3A_41 = tpu.memref_slice %arg3[%add3A_11] : memref<1600000xi32, #tpu.memory_space<hbm>> -> memref<10000xi32, #tpu.memory_space<hbm>>
      tpu.wait_dma2 semaphore(%run_scoped3A : memref<!tpu.dma_semaphore, #tpu.memory_space<semaphore_mem>>) src(%dma_wait3A_41 : memref<10000xi32, #tpu.memory_space<hbm>>) dst(%arg5 : memref<10000xi32, #tpu.memory_space<vmem>>)
      tpu.yield
    }) : () -> ()
    %dma_start3A_12 = arith.constant 0 : i32
    %dma_start3A_13 = tpu.memref_slice %arg2[%dma_start3A_12] : memref<100000xf32, #tpu.memory_space<hbm>> -> memref<100000xf32, #tpu.memory_space<hbm>>
    tpu.enqueue_indirect_dma source(%dma_start3A_13 : memref<100000xf32, #tpu.memory_space<hbm>>) target(%arg7 : memref<10000xf32, #tpu.memory_space<vmem>>) offsets(%arg5 : memref<10000xi32, #tpu.memory_space<vmem>>) semaphore(%arg9 : memref<!tpu.dma_semaphore, #tpu.memory_space<semaphore_mem>>)
    %dma_wait3A_14 = arith.constant 0 : i32
    %dma_wait3A_15 = tpu.memref_slice %arg2[%dma_wait3A_14] : memref<100000xf32, #tpu.memory_space<hbm>> -> memref<100000xf32, #tpu.memory_space<hbm>>
    tpu.wait_indirect_dma semaphore(%arg10 : memref<!tpu.dma_semaphore, #tpu.memory_space<semaphore_mem>>) src(%dma_wait3A_15 : memref<100000xf32, #tpu.memory_space<hbm>>) dst(%arg8 : memref<10000xf32, #tpu.memory_space<vmem>>)
    %sub3A_16 = arith.constant 10000 : i32
    %sub3A_17 = arith.subi %add3A_11, %sub3A_16 : i32
    "tpu.region"() ({
      %run_scoped3A = tpu.sem_alloc : memref<!tpu.dma_semaphore, #tpu.memory_space<semaphore_mem>>
      %dma_start3A_38 = tpu.memref_slice %arg4[%sub3A_17] : memref<1600000xf32, #tpu.memory_space<hbm>> -> memref<10000xf32, #tpu.memory_space<hbm>>
      %dma_start3A_39 = tpu.memref_slice %arg4[%sub3A_17] : memref<1600000xf32, #tpu.memory_space<hbm>> -> memref<10000xf32, #tpu.memory_space<hbm>>
      tpu.enqueue_dma source(%arg8 : memref<10000xf32, #tpu.memory_space<vmem>>) target(%dma_start3A_39 : memref<10000xf32, #tpu.memory_space<hbm>>) target_semaphore(%run_scoped3A : memref<!tpu.dma_semaphore, #tpu.memory_space<semaphore_mem>>)
      %dma_wait3A_40 = tpu.memref_slice %arg4[%sub3A_17] : memref<1600000xf32, #tpu.memory_space<hbm>> -> memref<10000xf32, #tpu.memory_space<hbm>>
      %dma_wait3A_41 = tpu.memref_slice %arg4[%sub3A_17] : memref<1600000xf32, #tpu.memory_space<hbm>> -> memref<10000xf32, #tpu.memory_space<hbm>>
      tpu.wait_dma2 semaphore(%run_scoped3A : memref<!tpu.dma_semaphore, #tpu.memory_space<semaphore_mem>>) src(%arg8 : memref<10000xf32, #tpu.memory_space<vmem>>) dst(%dma_wait3A_41 : memref<10000xf32, #tpu.memory_space<hbm>>)
      tpu.yield
    }) : () -> ()
    %add3A_18 = arith.constant 30000 : i32
    %add3A_19 = arith.addi %mul3A_2, %add3A_18 : i32
    "tpu.region"() ({
      %run_scoped3A = tpu.sem_alloc : memref<!tpu.dma_semaphore, #tpu.memory_space<semaphore_mem>>
      %dma_start3A_38 = tpu.memref_slice %arg3[%add3A_19] : memref<1600000xi32, #tpu.memory_space<hbm>> -> memref<10000xi32, #tpu.memory_space<hbm>>
      %dma_start3A_39 = tpu.memref_slice %arg3[%add3A_19] : memref<1600000xi32, #tpu.memory_space<hbm>> -> memref<10000xi32, #tpu.memory_space<hbm>>
      tpu.enqueue_dma source(%dma_start3A_39 : memref<10000xi32, #tpu.memory_space<hbm>>) target(%arg6 : memref<10000xi32, #tpu.memory_space<vmem>>) target_semaphore(%run_scoped3A : memref<!tpu.dma_semaphore, #tpu.memory_space<semaphore_mem>>)
      %dma_wait3A_40 = tpu.memref_slice %arg3[%add3A_19] : memref<1600000xi32, #tpu.memory_space<hbm>> -> memref<10000xi32, #tpu.memory_space<hbm>>
      %dma_wait3A_41 = tpu.memref_slice %arg3[%add3A_19] : memref<1600000xi32, #tpu.memory_space<hbm>> -> memref<10000xi32, #tpu.memory_space<hbm>>
      tpu.wait_dma2 semaphore(%run_scoped3A : memref<!tpu.dma_semaphore, #tpu.memory_space<semaphore_mem>>) src(%dma_wait3A_41 : memref<10000xi32, #tpu.memory_space<hbm>>) dst(%arg6 : memref<10000xi32, #tpu.memory_space<vmem>>)
      tpu.yield
    }) : () -> ()
    %dma_start3A_20 = arith.constant 0 : i32
    %dma_start3A_21 = tpu.memref_slice %arg2[%dma_start3A_20] : memref<100000xf32, #tpu.memory_space<hbm>> -> memref<100000xf32, #tpu.memory_space<hbm>>
    tpu.enqueue_indirect_dma source(%dma_start3A_21 : memref<100000xf32, #tpu.memory_space<hbm>>) target(%arg8 : memref<10000xf32, #tpu.memory_space<vmem>>) offsets(%arg6 : memref<10000xi32, #tpu.memory_space<vmem>>) semaphore(%arg10 : memref<!tpu.dma_semaphore, #tpu.memory_space<semaphore_mem>>)
    %dma_wait3A_22 = arith.constant 0 : i32
    %dma_wait3A_23 = tpu.memref_slice %arg2[%dma_wait3A_22] : memref<100000xf32, #tpu.memory_space<hbm>> -> memref<100000xf32, #tpu.memory_space<hbm>>
    tpu.wait_indirect_dma semaphore(%arg9 : memref<!tpu.dma_semaphore, #tpu.memory_space<semaphore_mem>>) src(%dma_wait3A_23 : memref<100000xf32, #tpu.memory_space<hbm>>) dst(%arg7 : memref<10000xf32, #tpu.memory_space<vmem>>)
    %sub3A_24 = arith.constant 10000 : i32
    %sub3A_25 = arith.subi %add3A_19, %sub3A_24 : i32
    "tpu.region"() ({
      %run_scoped3A = tpu.sem_alloc : memref<!tpu.dma_semaphore, #tpu.memory_space<semaphore_mem>>
      %dma_start3A_38 = tpu.memref_slice %arg4[%sub3A_25] : memref<1600000xf32, #tpu.memory_space<hbm>> -> memref<10000xf32, #tpu.memory_space<hbm>>
      %dma_start3A_39 = tpu.memref_slice %arg4[%sub3A_25] : memref<1600000xf32, #tpu.memory_space<hbm>> -> memref<10000xf32, #tpu.memory_space<hbm>>
      tpu.enqueue_dma source(%arg7 : memref<10000xf32, #tpu.memory_space<vmem>>) target(%dma_start3A_39 : memref<10000xf32, #tpu.memory_space<hbm>>) target_semaphore(%run_scoped3A : memref<!tpu.dma_semaphore, #tpu.memory_space<semaphore_mem>>)
      %dma_wait3A_40 = tpu.memref_slice %arg4[%sub3A_25] : memref<1600000xf32, #tpu.memory_space<hbm>> -> memref<10000xf32, #tpu.memory_space<hbm>>
      %dma_wait3A_41 = tpu.memref_slice %arg4[%sub3A_25] : memref<1600000xf32, #tpu.memory_space<hbm>> -> memref<10000xf32, #tpu.memory_space<hbm>>
      tpu.wait_dma2 semaphore(%run_scoped3A : memref<!tpu.dma_semaphore, #tpu.memory_space<semaphore_mem>>) src(%arg7 : memref<10000xf32, #tpu.memory_space<vmem>>) dst(%dma_wait3A_41 : memref<10000xf32, #tpu.memory_space<hbm>>)
      tpu.yield
    }) : () -> ()
    %add3A_26 = arith.constant 40000 : i32
    %add3A_27 = arith.addi %mul3A_2, %add3A_26 : i32
    "tpu.region"() ({
      %run_scoped3A = tpu.sem_alloc : memref<!tpu.dma_semaphore, #tpu.memory_space<semaphore_mem>>
      %dma_start3A_38 = tpu.memref_slice %arg3[%add3A_27] : memref<1600000xi32, #tpu.memory_space<hbm>> -> memref<10000xi32, #tpu.memory_space<hbm>>
      %dma_start3A_39 = tpu.memref_slice %arg3[%add3A_27] : memref<1600000xi32, #tpu.memory_space<hbm>> -> memref<10000xi32, #tpu.memory_space<hbm>>
      tpu.enqueue_dma source(%dma_start3A_39 : memref<10000xi32, #tpu.memory_space<hbm>>) target(%arg5 : memref<10000xi32, #tpu.memory_space<vmem>>) target_semaphore(%run_scoped3A : memref<!tpu.dma_semaphore, #tpu.memory_space<semaphore_mem>>)
      %dma_wait3A_40 = tpu.memref_slice %arg3[%add3A_27] : memref<1600000xi32, #tpu.memory_space<hbm>> -> memref<10000xi32, #tpu.memory_space<hbm>>
      %dma_wait3A_41 = tpu.memref_slice %arg3[%add3A_27] : memref<1600000xi32, #tpu.memory_space<hbm>> -> memref<10000xi32, #tpu.memory_space<hbm>>
      tpu.wait_dma2 semaphore(%run_scoped3A : memref<!tpu.dma_semaphore, #tpu.memory_space<semaphore_mem>>) src(%dma_wait3A_41 : memref<10000xi32, #tpu.memory_space<hbm>>) dst(%arg5 : memref<10000xi32, #tpu.memory_space<vmem>>)
      tpu.yield
    }) : () -> ()
    %dma_start3A_28 = arith.constant 0 : i32
    %dma_start3A_29 = tpu.memref_slice %arg2[%dma_start3A_28] : memref<100000xf32, #tpu.memory_space<hbm>> -> memref<100000xf32, #tpu.memory_space<hbm>>
    tpu.enqueue_indirect_dma source(%dma_start3A_29 : memref<100000xf32, #tpu.memory_space<hbm>>) target(%arg7 : memref<10000xf32, #tpu.memory_space<vmem>>) offsets(%arg5 : memref<10000xi32, #tpu.memory_space<vmem>>) semaphore(%arg9 : memref<!tpu.dma_semaphore, #tpu.memory_space<semaphore_mem>>)
    %dma_wait3A_30 = arith.constant 0 : i32
    %dma_wait3A_31 = tpu.memref_slice %arg2[%dma_wait3A_30] : memref<100000xf32, #tpu.memory_space<hbm>> -> memref<100000xf32, #tpu.memory_space<hbm>>
    tpu.wait_indirect_dma semaphore(%arg10 : memref<!tpu.dma_semaphore, #tpu.memory_space<semaphore_mem>>) src(%dma_wait3A_31 : memref<100000xf32, #tpu.memory_space<hbm>>) dst(%arg8 : memref<10000xf32, #tpu.memory_space<vmem>>)
    %sub3A_32 = arith.constant 10000 : i32
    %sub3A_33 = arith.subi %add3A_27, %sub3A_32 : i32
    "tpu.region"() ({
      %run_scoped3A = tpu.sem_alloc : memref<!tpu.dma_semaphore, #tpu.memory_space<semaphore_mem>>
      %dma_start3A_38 = tpu.memref_slice %arg4[%sub3A_33] : memref<1600000xf32, #tpu.memory_space<hbm>> -> memref<10000xf32, #tpu.memory_space<hbm>>
      %dma_start3A_39 = tpu.memref_slice %arg4[%sub3A_33] : memref<1600000xf32, #tpu.memory_space<hbm>> -> memref<10000xf32, #tpu.memory_space<hbm>>
      tpu.enqueue_dma source(%arg8 : memref<10000xf32, #tpu.memory_space<vmem>>) target(%dma_start3A_39 : memref<10000xf32, #tpu.memory_space<hbm>>) target_semaphore(%run_scoped3A : memref<!tpu.dma_semaphore, #tpu.memory_space<semaphore_mem>>)
      %dma_wait3A_40 = tpu.memref_slice %arg4[%sub3A_33] : memref<1600000xf32, #tpu.memory_space<hbm>> -> memref<10000xf32, #tpu.memory_space<hbm>>
      %dma_wait3A_41 = tpu.memref_slice %arg4[%sub3A_33] : memref<1600000xf32, #tpu.memory_space<hbm>> -> memref<10000xf32, #tpu.memory_space<hbm>>
      tpu.wait_dma2 semaphore(%run_scoped3A : memref<!tpu.dma_semaphore, #tpu.memory_space<semaphore_mem>>) src(%arg8 : memref<10000xf32, #tpu.memory_space<vmem>>) dst(%dma_wait3A_41 : memref<10000xf32, #tpu.memory_space<hbm>>)
      tpu.yield
    }) : () -> ()
    %dma_wait3A_34 = arith.constant 0 : i32
    %dma_wait3A_35 = tpu.memref_slice %arg2[%dma_wait3A_34] : memref<100000xf32, #tpu.memory_space<hbm>> -> memref<100000xf32, #tpu.memory_space<hbm>>
    tpu.wait_indirect_dma semaphore(%arg9 : memref<!tpu.dma_semaphore, #tpu.memory_space<semaphore_mem>>) src(%dma_wait3A_35 : memref<100000xf32, #tpu.memory_space<hbm>>) dst(%arg7 : memref<10000xf32, #tpu.memory_space<vmem>>)
    %add3A_36 = arith.constant 40000 : i32
    %add3A_37 = arith.addi %mul3A_2, %add3A_36 : i32
    "tpu.region"() ({
      %run_scoped3A = tpu.sem_alloc : memref<!tpu.dma_semaphore, #tpu.memory_space<semaphore_mem>>
      %dma_start3A_38 = tpu.memref_slice %arg4[%add3A_37] : memref<1600000xf32, #tpu.memory_space<hbm>> -> memref<10000xf32, #tpu.memory_space<hbm>>
      %dma_start3A_39 = tpu.memref_slice %arg4[%add3A_37] : memref<1600000xf32, #tpu.memory_space<hbm>> -> memref<10000xf32, #tpu.memory_space<hbm>>
      tpu.enqueue_dma source(%arg7 : memref<10000xf32, #tpu.memory_space<vmem>>) target(%dma_start3A_39 : memref<10000xf32, #tpu.memory_space<hbm>>) target_semaphore(%run_scoped3A : memref<!tpu.dma_semaphore, #tpu.memory_space<semaphore_mem>>)
      %dma_wait3A_40 = tpu.memref_slice %arg4[%add3A_37] : memref<1600000xf32, #tpu.memory_space<hbm>> -> memref<10000xf32, #tpu.memory_space<hbm>>
      %dma_wait3A_41 = tpu.memref_slice %arg4[%add3A_37] : memref<1600000xf32, #tpu.memory_space<hbm>> -> memref<10000xf32, #tpu.memory_space<hbm>>
      tpu.wait_dma2 semaphore(%run_scoped3A : memref<!tpu.dma_semaphore, #tpu.memory_space<semaphore_mem>>) src(%arg7 : memref<10000xf32, #tpu.memory_space<vmem>>) dst(%dma_wait3A_41 : memref<10000xf32, #tpu.memory_space<hbm>>)
      tpu.yield
    }) : () -> ()
    return
  }
}

</mosaic_0001>

<sc_bundles>
// kernel: _sc_gather.3.cloned.1.call-start
scs
__scs_entry_jumppad:
0x0: {  	(pc) =	sbr.rel $0x88, $3  }
0x1: {  	(tag) =	ssettag $0x0;
	lr =	simm.s32 $0x1  }
0x2: {  	[smem:$0x3F9F] =	sst lr;
	_ =	strace $0xD0000000  }
0x3: {  	_ = 	snop  }
0x4: {  	_ = 	snop  }
0x5: {  	_ = 	snop  }
0x6: {  	_ = 	snop  }
0x7: {  	_ = 	snop  }
__scs_overlays_trampoline_lowered:
0x8: {  	[smem:$0x3FAE] =	sst s0  }
0x9: {  	[smem:$0x3FAF] =	sst s1  }
0xa: {  	[smem:$0x3FB0] =	sst s2  }
0xb: {  	[smem:$0x3FB1] =	sst s3  }
0xc: {  	[smem:$0x3FB2] =	sst s4  }
0xd: {  	[smem:$0x3FB3] =	sst s5  }
0xe: {  	[smem:$0x3FB4] =	sst s6  }
0xf: {  	[smem:$0x3FB5] =	sst s7  }
0x10: {  	[smem:$0x3FB6] =	sst s8  }
0x11: {  	[smem:$0x3FB7] =	sst s9;
	s0 =	simm.s32 @!p0 $0x0  }
0x12: {  	s1 =	sld [smem:$0x3F9D];
	s0 =	simm.s32 @p0 $0x1  }
0x13: {  	[smem:$0x3FB8] =	sst s0;
	s0 =	simm.s32 @!p1 $0x0  }
0x14: {  	s2 =	sld [smem:$0x3F9C];
	s0 =	simm.s32 @p1 $0x1  }
0x15: {  	[smem:$0x3FB9] =	sst s0;
	s0 =	simm.s32 @!p2 $0x0  }
0x16: {  	s3 =	sld [smem:$0x3FDB];
	s0 =	simm.s32 @p2 $0x1  }
0x17: {  	s4 =	simm.s32 $0x1BF5;
	[smem:$0x3FBB] =	sst s0  }
0x18: {  	s0 =	sld [smem:$0x3F9E];
	_ =	swait.ge [sflag:s4], $0x0  }
0x19: {  	s7 =	sld [smem:$0x3F9F]  }
0x1a: {  	s8 =	sadd.s32 $0xFFFFE003, lr  }
0x1b: {  	s9 =	sadd.s32 $0xFFFFFEF7, lr;
	s5 =	simm.s32 $0xFFFFFFFF;
	p2 =	slt.u32 s8, $0xFFFFF086  }
0x1c: {  	p1 =	slt.u32 s9, $0xF7A;
	s5 =	simm.s32 @!p2 $0x0  }
0x1d: {  	s5 =	simm.s32 @p1 $0x1;
	p0 =	seq.s32 s7, s2  }
0x1e: {  	s7 =	smul.u32 @!p0 $0xF7A, s2;
	p2 =	seq.s32 @!p0 s5, $0x0  }
0x1f: {  	s9 =	smul.u32 $0xF7A, s1;
	s8 =	simm.s32 @!p0 $0x1BF5;
	p2 =	por !p2, p0  }
0x20: {  	[sflag:s8] =	ssyncset.s32 @!p0 $0xFFFFF086;
	s6 =	sadd.s32 @!p0 s3, s7;
	s7 =	simm.s32 @!p0 $0x108  }
0x21: {  	s3 =	sadd.s32 s3, s9;
	s6 =	sadd.s32 @!p0 $0x88, s6;
	s7 =	simm.s32 @p2 $0x1082  }
0x22: {  	[simem:s7], [sflag:s8] =	dma.local @!p0 [hbm:s6], $0xF7A  }
0x23: {  	s9 =	sor.u32 $0xD0000000, s2;
	s6 =	simm.s32 $0x108;
	_ =	swait.ge @!p0 [sflag:s8], $0x0  }
0x24: {  	s3 =	sadd.s32 $0x88, s3;
	s6 =	simm.s32 @!p1 $0x1082;
	[sflag:s4] =	ssyncset.s32 $0xFFFFF086  }
0x25: {  	[simem:s6], [sflag:s4] =	dma.local [hbm:s3], $0xF7A  }
0x26: {  	[smem:$0x3F9F] =	sst s1;
	(tag) =	ssettag s2;
	_ =	strace s9  }
0x27: {  	s1 =	sld [smem:$0x3FAF]  }
0x28: {  	s2 =	sld [smem:$0x3FB0]  }
0x29: {  	s4 =	sld [smem:$0x3FB2]  }
0x2a: {  	p0 =	seq.s32 s5, $0x0;
	s5 =	sld [smem:$0x3FB3]  }
0x2b: {  	s6 =	sld [smem:$0x3FB4]  }
0x2c: {  	s7 =	sld [smem:$0x3FB5]  }
0x2d: {  	s3 =	simm.s32 $0x108;
	s8 =	sld [smem:$0x3FB6]  }
0x2e: {  	s3 =	simm.s32 @!p0 $0x1082;
	s9 =	sld [smem:$0x3FB7]  }
0x2f: {  	lr =	sadd.s32 s0, s3;
	s0 =	sld [smem:$0x3FAE]  }
0x30: {  	s3 =	sld [smem:$0x3FB1]  }
0x31: {  	[smem:$0x3FBA] =	sst s10  }
0x32: {  	s10 =	sld [smem:$0x3FB8];
	_ =	sdelay $0x3  }
0x33: {  	p0 =	seq.s32 s10, $0x1;
	s10 =	sld [smem:$0x3FBA];
	_ =	sdelay $0x3  }
0x34: {  	[smem:$0x3FBA] =	sst s10  }
0x35: {  	s10 =	sld [smem:$0x3FB9];
	_ =	sdelay $0x3  }
0x36: {  	p1 =	seq.s32 s10, $0x1;
	s10 =	sld [smem:$0x3FBA];
	_ =	sdelay $0x3  }
0x37: {  	[smem:$0x3FBA] =	sst s10  }
0x38: {  	s10 =	sld [smem:$0x3FBB]  }
0x39: {  	_ = 	snop;
	(pc) =	sbr.ind lr, $3  }
0x3a: {  	_ = 	snop  }
0x3b: {  	_ = 	snop  }
0x3c: {  	p2 =	seq.s32 s10, $0x1;
	s10 =	sld [smem:$0x3FBA]  }
0x3d: {  	_ =	shalt  }
0x3e: {  	_ =	shalt  }
0x3f: {  	_ =	shalt  }
0x40: {  	_ =	shalt  }
0x41: {  	_ =	shalt  }
0x42: {  	_ =	shalt  }
0x43: {  	_ =	shalt  }
0x44: {  	_ =	shalt  }
0x45: {  	_ =	shalt  }
0x46: {  	_ =	shalt  }
0x47: {  	_ =	shalt  }
0x48: {  	_ =	shalt  }
0x49: {  	_ =	shalt  }
0x4a: {  	_ =	shalt  }
0x4b: {  	_ =	shalt  }
0x4c: {  	_ =	shalt  }
0x4d: {  	_ =	shalt  }
0x4e: {  	_ =	shalt  }
0x4f: {  	_ =	shalt  }
0x50: {  	_ =	shalt  }
0x51: {  	_ =	shalt  }
0x52: {  	_ =	shalt  }
0x53: {  	_ =	shalt  }
0x54: {  	_ =	shalt  }
0x55: {  	_ =	shalt  }
0x56: {  	_ =	shalt  }
0x57: {  	_ =	shalt  }
0x58: {  	_ =	shalt  }
0x59: {  	_ =	shalt  }
0x5a: {  	_ =	shalt  }
0x5b: {  	_ =	shalt  }
0x5c: {  	_ =	shalt  }
0x5d: {  	_ =	shalt  }
0x5e: {  	_ =	shalt  }
0x5f: {  	_ =	shalt  }
0x60: {  	_ =	shalt  }
0x61: {  	_ =	shalt  }
0x62: {  	_ =	shalt  }
0x63: {  	_ =	shalt  }
0x64: {  	_ =	shalt  }
0x65: {  	_ =	shalt  }
0x66: {  	_ =	shalt  }
0x67: {  	_ =	shalt  }
0x68: {  	_ =	shalt  }
0x69: {  	_ =	shalt  }
0x6a: {  	_ =	shalt  }
0x6b: {  	_ =	shalt  }
0x6c: {  	_ =	shalt  }
0x6d: {  	_ =	shalt  }
0x6e: {  	_ =	shalt  }
0x6f: {  	_ =	shalt  }
0x70: {  	_ =	shalt  }
0x71: {  	_ =	shalt  }
0x72: {  	_ =	shalt  }
0x73: {  	_ =	shalt  }
0x74: {  	_ =	shalt  }
0x75: {  	_ =	shalt  }
0x76: {  	_ =	shalt  }
0x77: {  	_ =	shalt  }
0x78: {  	_ =	shalt  }
0x79: {  	_ =	shalt  }
0x7a: {  	_ =	shalt  }
0x7b: {  	_ =	shalt  }
0x7c: {  	_ =	shalt  }
0x7d: {  	_ =	shalt  }
0x7e: {  	_ =	shalt  }
0x7f: {  	_ =	shalt  }
0x80: {  	_ =	shalt  }
0x81: {  	_ =	shalt  }
0x82: {  	_ =	shalt  }
0x83: {  	_ =	shalt  }
0x84: {  	_ =	shalt  }
0x85: {  	_ =	shalt  }
0x86: {  	_ =	shalt  }
0x87: {  	_ =	shalt  }
.Lfunc_end0:
.L_simem_size_0:
called_computation_lowered:
.L_overlay_start_0:
0x88: {  	s2 =	sld [smem:$0x3FD9]  }
0x89: {  	s3 =	sld [smem:$0x3FFE];
	_ =	sdelay $0x1  }
0x8a: {  	s1 =	srdreg.scid  }
0x8b: {  	s0 =	sand.u32 $0x1, s1  }
0x8c: {  	s18 =	sshll.u32 s0, $0xA;
	s2 =	sadd.s32 s3, s2  }
0x8d: {  	s2 =	sadd.s32 s2, s18  }
0x8e: {  	[smem:$0x3FC6] =	sst s2  }
0x8f: {  	_ = 	snop  }
0x90: {  	s2 =	sld [smem:$0x3FC9]  }
0x91: {  	s19 =	sld [smem:$0x3FC8]  }
0x92: {  	s4 =	sld [smem:$0x3FD0];
	(tm) =	ssettm $0x1  }
0x93: {  	s5 =	sld [smem:$0x3FFB];
	_ =	sdelay $0x3  }
0x94: {  	_ =	strace s5  }
0x95: {  	s5 =	sld [smem:$0x3FFC];
	_ =	sdelay $0x3  }
0x96: {  	_ =	strace s5  }
0x97: {  	s5 =	sld [smem:$0x3FFD];
	_ =	sdelay $0x3  }
0x98: {  	_ =	strace s5  }
0x99: {  	_ =	strace $0x8FFFFFFF  }
0x9a: {  	s20 =	sld [smem:$0x3FDB];
	_ =	sdelay $0x1  }
0x9b: {  	s6 =	simm.s32 $_scs_section_size  }
0x9c: {  	s7 =	simm.s32 $_size__tile_overlayer_lowered;
	s8 =	simm.s32 $_tile_overlayer_lowered  }
0x9d: {  	s23 =	simm.s32 $0x1BFF;
	s22 =	sshll.u32 s8, $0x1;
	s5 =	sadd.s32 s6, s20  }
0x9e: {  	s9 =	simm.s32 $0x0;
	s21 =	sshll.u32 s7, $0x1;
	s7 =	sadd.s32 s22, s5  }
0x9f: {  	[timem:s9], [sflag:s23] =	dma.local [hbm:s7], s21  }
0xa0: {  	_ =	swait.ge [sflag:s23], s21  }
0xa1: {  	s6 =	ssub.s32 $0x0, s21;
	[sflag:s23] =	ssyncset.done $0x0  }
0xa2: {  	[sflag:s23] =	ssyncadd.s32 s6;
	_ =	sdelay $0x1  }
0xa3: {  	s24 =	simm.s32 $0x1B8B  }
0xa4: {  	_ =	swait.ge [sflag:s24], $0x1  }
0xa5: {  	[sflag:s24] =	ssyncset.done $0x0  }
0xa6: {  	s25 =	simm.s32 $0x1B8E;
	[sflag:s24] =	ssyncadd.s32 $0xFFFFFFFF  }
0xa7: {  	s26 =	simm.s32 $execute0_lowered;
	[smem:$0x3FD2] =	sst s25  }
0xa8: {  	s6 =	sshll.u32 s26, $0x1;
	_ =	strace $0x80000046;
	[dreg:$0x1] =	wrdreg $0xFFFFFFFF  }
0xa9: {  	s28 =	simm.s32 $_size_execute0_lowered;
	s5 =	sadd.s32 s5, s6;
	[dreg:$0x0] =	wrdreg $0x0  }
0xaa: {  	s6 =	sshll.u32 s28, $0x1;
	[dreg:$0x2] =	wrdreg s5  }
0xab: {  	[dreg:$0x3] =	wrdreg s6  }
0xac: {  	[dreg:$0x4] =	wrdreg $0xC0  }
0xad: {  	_ =	task [dreg:s9], $0x5FFFF  }
0xae: {  	[dreg:$0x1] =	wrdreg $0xFFFFFFFF  }
0xaf: {  	[dreg:$0x0] =	wrdreg $0x60  }
0xb0: {  	[dreg:$0x2] =	wrdreg s2  }
0xb1: {  	[dreg:$0x3] =	wrdreg s19  }
0xb2: {  	[dreg:$0x4] =	wrdreg s4  }
0xb3: {  	[dreg:$0x5] =	wrdreg $0x9  }
0xb4: {  	_ =	task.clear_ibuf [dreg:s9], $0x6FFFF;
	_ =	strace $0x90000046  }
0xb5: {  	s29 =	simm.s32 $0x9;
	_ =	strace $0x80000048  }
0xb6: {  	_ =	swait.ge [sflag:s29], $0x1  }
0xb7: {  	[sflag:s29] =	ssyncadd.s32 $0xFFFFFFFF  }
0xb8: {  	_ =	strace $0x90000048  }
0xb9: {  	_ =	sfence  }
0xba: {  	s30 =	sld [smem:$0x0];
	_ =	sdelay $0x2  }
0xbb: {  	s31 =	sshll.u32 s1, $0xD;
	s1 =	sshrl.u32 s1, $0x2  }
0xbc: {  	s3 =	sand.u32 $0x4000, s31;
	s1 =	sadd.s32 s1, s30  }
0xbd: {  	s0 =	sor.u32 s3, s0;
	s1 =	sshll.u32 s1, $0x11  }
0xbe: {  	s0 =	sor.u32 s1, s0  }
0xbf: {  	s0 =	sadd.s32 $0x8F2B, s0  }
0xc0: {  	[sflag:s0] =	ssyncadd.remote.s32 $0x1  }
0xc1: {  	_ =	sfence.sel $0xFFFF  }
0xc2: {  	[dreg:$0x0] =	wrdreg $0xFFFFFFFF;
	(pc) =	sbr.abs _section_cstart, $3  }
0xc3: {  	[dreg:$0x1] =	wrdreg $0xFFFFFFFF  }
0xc4: {  	_ =	task.clear_ibuf [dreg:s9], $0x2FFFF;
	_ =	strace $0x9FFFFFFF  }
0xc5: {  	(tm) =	ssettm $0x7FFFFFFF  }
tec
execute0_lowered:
.L_overlay_start_1:
0x0: {  	(tag) =	ssettag $0x1  }
0x1: {  	s1 =	srdreg.scid;
	s0 =	stileid.u32  }
0x2: {  	s2 =	rddreg [dreg:$0x0];
	s21 =	sand.u32 $0x1, s1;
	s30 =	sshll.u32 s0, $0x1  }
0x3: {  	s18 =	rddreg [dreg:$0x1];
	s1 =	sor.u32 s21, s30  }
0x4: {  	s20 =	rddreg [dreg:$0x2];
	s3 =	simm.s32 $0x0;
	s4 =	smul.u32 $0xC350, s1  }
0x5: {  	[smem:$0x7FF] =	sst s3  }
0x6: {  	s1 =	rddreg [dreg:$0x3];
	s19 =	sshrl.u32 s4, $0x3  }
0x7: {  	_ =	strace $0x80000047;
	s4 =	simm.s32 $0x3;
	s5 =	sadd.s32 s18, s19  }
0x8: {  	[tilespmem:s3], [sflag:$0x3] =	stream.linear.gather [hbm4b:s5+s3], $0x2710, $0x38;
	[tilespmem:$0x9E00] =	vst v63  }
0x9: {  	_ =	swait.ge [sflag:s4], $0x2710  }
0xa: {  	s6 =	simm.s32 $0x2710;
	[sflag:s4] =	ssyncset.done $0x0  }
0xb: {  	s7 =	simm.s32 $0x4F00;
	s15 =	sadd.s32 $0x4E2, s19;
	[sflag:s4] =	ssyncadd.s32 $0xFFFFD8F0  }
0xc: {  	[tilespmem:s7], [sflag:$0x1] =	stream.indirect.gather [hbm4b:s2+s6], $0x1, s3, s6, $0xb8;
	[tilespmem:$0x9E00] =	vst v63  }
0xd: {  	s9 =	simm.s32 $0x2780;
	s8 =	sadd.s32 s18, s15  }
0xe: {  	[tilespmem:s9], [sflag:$0x3] =	stream.linear.gather [hbm4b:s8+s3], $0x2710, $0x38;
	[tilespmem:$0x9E00] =	vst v63  }
0xf: {  	_ =	swait.ge [sflag:s4], $0x2710  }
0x10: {  	[sflag:s4] =	ssyncset.done $0x0  }
0x11: {  	s10 =	simm.s32 $0x7680;
	s11 =	simm.s32 $0x1;
	[sflag:s4] =	ssyncadd.s32 $0xFFFFD8F0  }
0x12: {  	[tilespmem:s10], [sflag:$0x2] =	stream.indirect.gather [hbm4b:s2+s6], $0x1, s9, s6, $0xb8;
	[tilespmem:$0x9E00] =	vst v63  }
0x13: {  	_ =	swait.ge [sflag:s11], $0x2710  }
0x14: {  	[sflag:s11] =	ssyncset.done $0x0  }
0x15: {  	s12 =	sadd.s32 s20, s19;
	[sflag:s11] =	ssyncadd.s32 $0xFFFFD8F0  }
0x16: {  	[hbm4b:s12+s3] =	stream.linear.scatter [tilespmem:s7], [sflag:$0x3], $0x2710, $0x38;
	[tilespmem:$0x9E00] =	vst v63  }
0x17: {  	_ =	swait.ge [sflag:s4], $0x2710  }
0x18: {  	s17 =	sadd.s32 $0x9C4, s19;
	[sflag:s4] =	ssyncset.done $0x0  }
0x19: {  	s13 =	sadd.s32 s18, s17;
	[sflag:s4] =	ssyncadd.s32 $0xFFFFD8F0  }
0x1a: {  	[tilespmem:s3], [sflag:$0x3] =	stream.linear.gather [hbm4b:s13+s3], $0x2710, $0x38;
	[tilespmem:$0x9E00] =	vst v63  }
0x1b: {  	_ =	swait.ge [sflag:s4], $0x2710  }
0x1c: {  	[sflag:s4] =	ssyncset.done $0x0  }
0x1d: {  	s14 =	simm.s32 $0x2;
	[sflag:s4] =	ssyncadd.s32 $0xFFFFD8F0  }
0x1e: {  	[tilespmem:s7], [sflag:$0x1] =	stream.indirect.gather [hbm4b:s2+s6], $0x1, s3, s6, $0xb8;
	[tilespmem:$0x9E00] =	vst v63  }
0x1f: {  	_ =	swait.ge [sflag:s14], $0x2710  }
0x20: {  	[sflag:s14] =	ssyncset.done $0x0  }
0x21: {  	s15 =	sadd.s32 s20, s15;
	[sflag:s14] =	ssyncadd.s32 $0xFFFFD8F0  }
0x22: {  	[hbm4b:s15+s3] =	stream.linear.scatter [tilespmem:s10], [sflag:$0x3], $0x2710, $0x38;
	[tilespmem:$0x9E00] =	vst v63  }
0x23: {  	_ =	swait.ge [sflag:s4], $0x2710  }
0x24: {  	s22 =	sadd.s32 $0xEA6, s19;
	[sflag:s4] =	ssyncset.done $0x0  }
0x25: {  	s16 =	sadd.s32 s18, s22;
	[sflag:s4] =	ssyncadd.s32 $0xFFFFD8F0  }
0x26: {  	[tilespmem:s9], [sflag:$0x3] =	stream.linear.gather [hbm4b:s16+s3], $0x2710, $0x38;
	[tilespmem:$0x9E00] =	vst v63  }
0x27: {  	_ =	swait.ge [sflag:s4], $0x2710  }
0x28: {  	[sflag:s4] =	ssyncset.done $0x0  }
0x29: {  	[sflag:s4] =	ssyncadd.s32 $0xFFFFD8F0  }
0x2a: {  	[tilespmem:s10], [sflag:$0x2] =	stream.indirect.gather [hbm4b:s2+s6], $0x1, s9, s6, $0xb8;
	[tilespmem:$0x9E00] =	vst v63  }
0x2b: {  	_ =	swait.ge [sflag:s11], $0x2710  }
0x2c: {  	[sflag:s11] =	ssyncset.done $0x0  }
0x2d: {  	s17 =	sadd.s32 s20, s17;
	[sflag:s11] =	ssyncadd.s32 $0xFFFFD8F0  }
0x2e: {  	[hbm4b:s17+s3] =	stream.linear.scatter [tilespmem:s7], [sflag:$0x3], $0x2710, $0x38;
	[tilespmem:$0x9E00] =	vst v63  }
0x2f: {  	_ =	swait.ge [sflag:s4], $0x2710  }
0x30: {  	s23 =	sadd.s32 $0x1388, s19;
	[sflag:s4] =	ssyncset.done $0x0  }
0x31: {  	s18 =	sadd.s32 s18, s23;
	[sflag:s4] =	ssyncadd.s32 $0xFFFFD8F0  }
0x32: {  	[tilespmem:s3], [sflag:$0x3] =	stream.linear.gather [hbm4b:s18+s3], $0x2710, $0x38;
	[tilespmem:$0x9E00] =	vst v63  }
0x33: {  	_ =	swait.ge [sflag:s4], $0x2710  }
0x34: {  	[sflag:s4] =	ssyncset.done $0x0  }
0x35: {  	[sflag:s4] =	ssyncadd.s32 $0xFFFFD8F0  }
0x36: {  	[tilespmem:s7], [sflag:$0x1] =	stream.indirect.gather [hbm4b:s2+s6], $0x1, s3, s6, $0xb8;
	[tilespmem:$0x9E00] =	vst v63  }
0x37: {  	_ =	swait.ge [sflag:s14], $0x2710  }
0x38: {  	[sflag:s14] =	ssyncset.done $0x0  }
0x39: {  	s21 =	ssub.s32 $0x2, s21;
	s19 =	sadd.s32 s20, s22;
	[sflag:s14] =	ssyncadd.s32 $0xFFFFD8F0  }
0x3a: {  	[hbm4b:s19+s3] =	stream.linear.scatter [tilespmem:s10], [sflag:$0x3], $0x2710, $0x38;
	[tilespmem:$0x9E00] =	vst v63  }
0x3b: {  	s31 =	sshrl.u32 s21, $0x1;
	_ =	swait.ge [sflag:s4], $0x2710  }
0x3c: {  	s21 =	ssub.s32 s21, s31;
	[sflag:s4] =	ssyncset.done $0x0  }
0x3d: {  	s21 =	smax.u32 s21, $0x1;
	[sflag:s4] =	ssyncadd.s32 $0xFFFFD8F0  }
0x3e: {  	p0 =	sne.s32 s21, $0x1;
	_ =	swait.ge [sflag:s11], $0x2710  }
.Ltmp0:
0x3f: {  	[sflag:s11] =	ssyncset.done $0x0;
	(pc) =	sbr.rel @!p0 .LBB2_2-.Ltmp0, $4  }
0x40: {  	s20 =	sadd.s32 s20, s23;
	[sflag:s11] =	ssyncadd.s32 $0xFFFFD8F0  }
0x41: {  	[hbm4b:s20+s3] =	stream.linear.scatter [tilespmem:s7], [sflag:$0x3], $0x2710, $0x38;
	[tilespmem:$0x9E00] =	vst v63  }
0x42: {  	_ =	swait.ge [sflag:s4], $0x2710  }
0x43: {  	s21 =	sadd.s32 $0xFFFFFFFF, s21;
	[sflag:s4] =	ssyncset.done $0x0  }
.LBB2_1:
0x44: {  	p0 =	sne.s32 s21, $0x1;
	s21 =	sadd.s32 $0xFFFFFFFF, s21;
	[sflag:s4] =	ssyncadd.s32 $0xFFFFD8F0  }
0x45: {  	[tilespmem:s3], [sflag:$0x3] =	stream.linear.gather [hbm4b:s5+s3], $0x2710, $0x38;
	[tilespmem:$0x9E00] =	vst v63  }
0x46: {  	_ =	swait.ge [sflag:s4], $0x2710  }
0x47: {  	[sflag:s4] =	ssyncset.done $0x0  }
0x48: {  	[sflag:s4] =	ssyncadd.s32 $0xFFFFD8F0  }
0x49: {  	[tilespmem:s7], [sflag:$0x1] =	stream.indirect.gather [hbm4b:s2+s6], $0x1, s3, s6, $0xb8;
	[tilespmem:$0x9E00] =	vst v63  }
0x4a: {  	_ = 	snop  }
0x4b: {  	[tilespmem:s9], [sflag:$0x3] =	stream.linear.gather [hbm4b:s8+s3], $0x2710, $0x38;
	[tilespmem:$0x9E00] =	vst v63  }
0x4c: {  	_ =	swait.ge [sflag:s4], $0x2710  }
0x4d: {  	[sflag:s4] =	ssyncset.done $0x0  }
0x4e: {  	[sflag:s4] =	ssyncadd.s32 $0xFFFFD8F0  }
0x4f: {  	[tilespmem:s10], [sflag:$0x2] =	stream.indirect.gather [hbm4b:s2+s6], $0x1, s9, s6, $0xb8;
	[tilespmem:$0x9E00] =	vst v63  }
0x50: {  	_ =	swait.ge [sflag:s11], $0x2710  }
0x51: {  	[sflag:s11] =	ssyncset.done $0x0  }
0x52: {  	[sflag:s11] =	ssyncadd.s32 $0xFFFFD8F0  }
0x53: {  	[hbm4b:s12+s3] =	stream.linear.scatter [tilespmem:s7], [sflag:$0x3], $0x2710, $0x38;
	[tilespmem:$0x9E00] =	vst v63  }
0x54: {  	_ =	swait.ge [sflag:s4], $0x2710  }
0x55: {  	[sflag:s4] =	ssyncset.done $0x0  }
0x56: {  	[sflag:s4] =	ssyncadd.s32 $0xFFFFD8F0  }
0x57: {  	[tilespmem:s3], [sflag:$0x3] =	stream.linear.gather [hbm4b:s13+s3], $0x2710, $0x38;
	[tilespmem:$0x9E00] =	vst v63  }
0x58: {  	_ =	swait.ge [sflag:s4], $0x2710  }
0x59: {  	[sflag:s4] =	ssyncset.done $0x0  }
0x5a: {  	[sflag:s4] =	ssyncadd.s32 $0xFFFFD8F0  }
0x5b: {  	[tilespmem:s7], [sflag:$0x1] =	stream.indirect.gather [hbm4b:s2+s6], $0x1, s3, s6, $0xb8;
	[tilespmem:$0x9E00] =	vst v63  }
0x5c: {  	_ =	swait.ge [sflag:s14], $0x2710  }
0x5d: {  	[sflag:s14] =	ssyncset.done $0x0  }
0x5e: {  	[sflag:s14] =	ssyncadd.s32 $0xFFFFD8F0  }
0x5f: {  	[hbm4b:s15+s3] =	stream.linear.scatter [tilespmem:s10], [sflag:$0x3], $0x2710, $0x38;
	[tilespmem:$0x9E00] =	vst v63  }
0x60: {  	_ =	swait.ge [sflag:s4], $0x2710  }
0x61: {  	[sflag:s4] =	ssyncset.done $0x0  }
0x62: {  	[sflag:s4] =	ssyncadd.s32 $0xFFFFD8F0  }
0x63: {  	[tilespmem:s9], [sflag:$0x3] =	stream.linear.gather [hbm4b:s16+s3], $0x2710, $0x38;
	[tilespmem:$0x9E00] =	vst v63  }
0x64: {  	_ =	swait.ge [sflag:s4], $0x2710  }
0x65: {  	[sflag:s4] =	ssyncset.done $0x0  }
0x66: {  	[sflag:s4] =	ssyncadd.s32 $0xFFFFD8F0  }
0x67: {  	[tilespmem:s10], [sflag:$0x2] =	stream.indirect.gather [hbm4b:s2+s6], $0x1, s9, s6, $0xb8;
	[tilespmem:$0x9E00] =	vst v63  }
0x68: {  	_ =	swait.ge [sflag:s11], $0x2710  }
0x69: {  	[sflag:s11] =	ssyncset.done $0x0  }
0x6a: {  	[sflag:s11] =	ssyncadd.s32 $0xFFFFD8F0  }
0x6b: {  	[hbm4b:s17+s3] =	stream.linear.scatter [tilespmem:s7], [sflag:$0x3], $0x2710, $0x38;
	[tilespmem:$0x9E00] =	vst v63  }
0x6c: {  	_ =	swait.ge [sflag:s4], $0x2710  }
0x6d: {  	[sflag:s4] =	ssyncset.done $0x0  }
0x6e: {  	[sflag:s4] =	ssyncadd.s32 $0xFFFFD8F0  }
0x6f: {  	[tilespmem:s3], [sflag:$0x3] =	stream.linear.gather [hbm4b:s18+s3], $0x2710, $0x38;
	[tilespmem:$0x9E00] =	vst v63  }
0x70: {  	_ =	swait.ge [sflag:s4], $0x2710  }
0x71: {  	[sflag:s4] =	ssyncset.done $0x0  }
0x72: {  	[sflag:s4] =	ssyncadd.s32 $0xFFFFD8F0  }
0x73: {  	[tilespmem:s7], [sflag:$0x1] =	stream.indirect.gather [hbm4b:s2+s6], $0x1, s3, s6, $0xb8;
	[tilespmem:$0x9E00] =	vst v63  }
0x74: {  	_ =	swait.ge [sflag:s14], $0x2710  }
0x75: {  	[sflag:s14] =	ssyncset.done $0x0  }
0x76: {  	[sflag:s14] =	ssyncadd.s32 $0xFFFFD8F0  }
0x77: {  	[hbm4b:s19+s3] =	stream.linear.scatter [tilespmem:s10], [sflag:$0x3], $0x2710, $0x38;
	[tilespmem:$0x9E00] =	vst v63  }
0x78: {  	_ =	swait.ge [sflag:s4], $0x2710  }
0x79: {  	[sflag:s4] =	ssyncset.done $0x0  }
0x7a: {  	[sflag:s4] =	ssyncadd.s32 $0xFFFFD8F0  }
0x7b: {  	_ =	swait.ge [sflag:s11], $0x2710  }
.Ltmp1:
0x7c: {  	[sflag:s11] =	ssyncset.done $0x0;
	(pc) =	sbr.rel @p0 .LBB2_1-.Ltmp1, $4  }
0x7d: {  	[sflag:s11] =	ssyncadd.s32 $0xFFFFD8F0  }
0x7e: {  	[hbm4b:s20+s3] =	stream.linear.scatter [tilespmem:s7], [sflag:$0x3], $0x2710, $0x38;
	[tilespmem:$0x9E00] =	vst v63  }
0x7f: {  	_ =	swait.ge [sflag:s4], $0x2710  }
0x80: {  	[sflag:s4] =	ssyncset.done $0x0  }
.LBB2_2:
0x81: {  	[sflag:s4] =	ssyncadd.s32 $0xFFFFD8F0  }
0x82: {  	_ =	sfence.sel $0x180000  }
0x83: {  	[bflag:$0x0] =	sbarrier.arrive $0xFFFF  }
0x84: {  	p0 =	sne.s32 s0, $0x0;
	_ =	strace $0x90000047  }
0x85: {  	s0 =	sadd.s32 @!p0 $0x100000, s1;
	[bflag:$0x2] =	sbarrier.arrive $0xFFFF  }
0x86: {  	[sflag:s0] =	ssyncadd.tile.s32 @!p0 $0x1;
	_ =	shalt  }
.Lfunc_end2:
_tile_overlayer_lowered:
.L_overlay_start_2:
0x87: {  	(tag) =	ssettag $0x2  }
0x88: {  	s0 =	rddreg [dreg:$0x0];
	s2 =	stileid.u32  }
0x89: {  	s1 =	rddreg [dreg:$0x1];
	p0 =	sne.s32 s2, $0x0  }
0x8a: {  	s3 =	rddreg [dreg:$0x2];
	[bflag:$0x3] =	sbarrier.arrive $0xFFFF;
	s2 =	simm.s32 @!p0 $0x1C03  }
0x8b: {  	[timem:s3], [sflag:s2] =	dma.local @!p0 [hbm:s0], s1  }
0x8c: {  	s0 =	simm.s32 @!p0 $0x3  }
0x8d: {  	_ =	swait.ge @!p0 [sflag:s0], s1  }
0x8e: {  	s1 =	ssub.s32 @!p0 $0x0, s1;
	[sflag:s0] =	ssyncset.done @!p0 $0x0  }
0x8f: {  	[sflag:s0] =	ssyncadd.s32 @!p0 s1  }
0x90: {  	[bflag:$0x3] =	sbarrier.arrive $0xFFFF  }
0x91: {  	_ =	shalt  }

</sc_bundles>
